<compile_context>
chip_gen: v7x
topology: tpu7x:2x2x1
jax: 0.10.2.dev20260603
libtpu: 0.0.44.dev20260713+nightly
codegen_flags: <defaults>
</compile_context>

<pallas_src>
import functools

import jax
import jax.numpy as jnp
from jax import lax
from jax.experimental import pallas as pl
from jax.experimental.pallas import tpu as pltpu
from jax.experimental.pallas import tpu_sc as plsc


def _sc_gather(table, idx):
    V, D = table.shape
    (B,) = idx.shape
    info = plsc.get_sparse_core_info()
    NC, NS = info.num_cores, info.num_subcores
    NW = NC * NS
    assert B % NW == 0
    b_per_w = B // NW
    mesh = plsc.VectorSubcoreMesh(core_axis_name="c", subcore_axis_name="s")

    @functools.partial(
        pl.kernel,
        mesh=mesh,
        out_type=jax.ShapeDtypeStruct((B, D), jnp.float32),
        scratch_types=[
            pltpu.VMEM((b_per_w,), jnp.int32),
            pltpu.VMEM((b_per_w, D), jnp.float32),
            pltpu.SemaphoreType.DMA,
        ],
    )
    def gather_kernel(table_hbm, idx_hbm, out_hbm, idx_v, rows_v, sem):
        wid = lax.axis_index("s") * NC + lax.axis_index("c")
        base = wid * b_per_w
        pltpu.sync_copy(idx_hbm.at[pl.ds(base, b_per_w)], idx_v)
        pltpu.async_copy(table_hbm.at[idx_v], rows_v, sem).wait()
        pltpu.sync_copy(rows_v, out_hbm.at[pl.ds(base, b_per_w)])

    return gather_kernel(table, idx)


_MLP_BLK = 1024


def _mlp_body(x_ref, s_ref, b_ref, b1_ref, b2_ref, w1_hbm, w2_hbm,
              o_ref, xln_ref, w1b, w2b, sem1, sem2):
    BLK = _MLP_BLK
    H = w1_hbm.shape[1]
    K = H // BLK

    def w1_copy(k, slot):
        return pltpu.make_async_copy(
            w1_hbm.at[:, pl.ds(k * BLK, BLK)], w1b.at[slot], sem1.at[slot])

    def w2_copy(k, slot):
        return pltpu.make_async_copy(
            w2_hbm.at[pl.ds(k * BLK, BLK), :], w2b.at[slot], sem2.at[slot])

    w1_copy(0, 0).start()
    w2_copy(0, 0).start()
    w1_copy(1, 1).start()
    w2_copy(1, 1).start()

    x = x_ref[...]
    mean = jnp.mean(x, axis=1, keepdims=True)
    var = jnp.mean((x - mean) ** 2, axis=1, keepdims=True)
    xln_ref[...] = (x - mean) * lax.rsqrt(var + 1e-5) * s_ref[...] + b_ref[...]
    o_ref[...] = jnp.broadcast_to(b2_ref[...], o_ref.shape)

    for k in range(K):
        slot = k % 2
        w1_copy(k, slot).wait()
        w2_copy(k, slot).wait()
        h = jnp.dot(xln_ref[...], w1b[slot],
                    preferred_element_type=jnp.float32)
        h = jax.nn.gelu(h + b1_ref[:, pl.ds(k * BLK, BLK)])
        o_ref[...] += jnp.dot(h, w2b[slot],
                              preferred_element_type=jnp.float32)
        if k + 2 < K:
            w1_copy(k + 2, slot).start()
            w2_copy(k + 2, slot).start()


def _tc_mlp(x, ln_scale, ln_bias, W1, b1, W2, b2):
    N, D = x.shape
    H = W1.shape[1]
    BLK = _MLP_BLK
    return pl.pallas_call(
        _mlp_body,
        in_specs=[
            pl.BlockSpec(memory_space=pltpu.VMEM),
            pl.BlockSpec(memory_space=pltpu.VMEM),
            pl.BlockSpec(memory_space=pltpu.VMEM),
            pl.BlockSpec(memory_space=pltpu.VMEM),
            pl.BlockSpec(memory_space=pltpu.VMEM),
            pl.BlockSpec(memory_space=pl.ANY),
            pl.BlockSpec(memory_space=pl.ANY),
        ],
        out_specs=pl.BlockSpec(memory_space=pltpu.VMEM),
        out_shape=jax.ShapeDtypeStruct((N, D), jnp.float32),
        scratch_shapes=[
            pltpu.VMEM((N, D), jnp.float32),
            pltpu.VMEM((2, D, BLK), jnp.float32),
            pltpu.VMEM((2, BLK, D), jnp.float32),
            pltpu.SemaphoreType.DMA((2,)),
            pltpu.SemaphoreType.DMA((2,)),
        ],
    )(x, ln_scale.reshape(1, D), ln_bias.reshape(1, D),
      b1.reshape(1, H), b2.reshape(1, D), W1, W2)


def kernel(index, codebook, ln_scale, ln_bias, W1, b1, W2, b2):
    Bb, M = index.shape
    V, D = codebook.shape
    idx_flat = index.reshape(-1).astype(jnp.int32)
    x = _sc_gather(codebook, idx_flat)
    rec = _tc_mlp(x, ln_scale, ln_bias, W1, b1, W2, b2)
    return rec.reshape(Bb, M, D)

# --- scband reference (transcript-rebuilt; emitter-appended) ---
"""Pipeline reference for scband-decoder-1-d-51926154608671 (READ-ONLY COPY).

The authoritative reference and input builder live on the scoring server;
editing this copy changes nothing except your own understanding.
"""

import jax, jax.numpy as jnp
import numpy as np

CODEBOOK_SIZE = 8192
CODEBOOK_DIM = 1024
HIDDEN_DIM = 4096
B = 4
M = 256


def setup_inputs(seed: int = 0) -> dict:
    key = jax.random.key(seed)
    k1, k2, k3, k4 = jax.random.split(key, 4)
    index = jax.random.randint(k1, (B, M), 0, CODEBOOK_SIZE, dtype=jnp.int64) if jax.config.jax_enable_x64 else jax.random.randint(k1, (B, M), 0, CODEBOOK_SIZE, dtype=jnp.int32)
    codebook = (CODEBOOK_DIM ** 0.5) * jax.random.normal(k2, (CODEBOOK_SIZE, CODEBOOK_DIM), dtype=jnp.float32)
    ln_scale = jnp.ones((CODEBOOK_DIM,), dtype=jnp.float32)
    ln_bias = jnp.zeros((CODEBOOK_DIM,), dtype=jnp.float32)
    W1 = 0.02 * jax.random.normal(k3, (CODEBOOK_DIM, HIDDEN_DIM), dtype=jnp.float32)
    b1 = jnp.zeros((HIDDEN_DIM,), dtype=jnp.float32)
    W2 = 0.02 * jax.random.normal(k4, (HIDDEN_DIM, CODEBOOK_DIM), dtype=jnp.float32)
    b2 = jnp.zeros((CODEBOOK_DIM,), dtype=jnp.float32)
    return {"index": index, "codebook": codebook, "ln_scale": ln_scale, "ln_bias": ln_bias, "W1": W1, "b1": b1, "W2": W2, "b2": b2}


def _decoder_ff(x, ln_scale, ln_bias, W1, b1, W2, b2):
    mean = jnp.mean(x, axis=-1, keepdims=True)
    var = jnp.var(x, axis=-1, keepdims=True)
    h = (x - mean) / jnp.sqrt(var + 1e-5) * ln_scale + ln_bias
    h = jnp.dot(h, W1) + b1
    h = jax.nn.gelu(h)
    rec = jnp.dot(h, W2) + b2
    return rec


def reference(index, codebook, ln_scale, ln_bias, W1, b1, W2, b2):
    # one-hot @ codebook einsum, faithful to torch.einsum('bmn,nd->bmd', one_hot, codebook)
    code_weight_probs = jax.nn.one_hot(index, CODEBOOK_SIZE, dtype=codebook.dtype)
    quantized = jnp.einsum('bmn,nd->bmd', code_weight_probs, codebook)
    rec = _decoder_ff(quantized, ln_scale, ln_bias, W1, b1, W2, b2)
    return rec

if __name__ == "__main__":
    import jax
    _d = setup_inputs()
    print(jax.jit(kernel)(*tuple(_d.values())))

</pallas_src>

<mosaic_0001>
#map = affine_map<(d0, d1) -> (0, 0)>
#map1 = affine_map<(d0, d1) -> (0)>
module attributes {stable_mosaic.version = 14 : i64} {
  func.func @gather_kernel(%arg0: i32, %arg1: i32, %arg2: memref<8192x1024xf32, #tpu.memory_space<hbm>>, %arg3: memref<1024xi32, #tpu.memory_space<hbm>>, %arg4: memref<1024x1024xf32, #tpu.memory_space<hbm>>, %arg5: memref<32xi32, #tpu.memory_space<vmem>>, %arg6: memref<32x1024xf32, #tpu.memory_space<vmem>>, %arg7: memref<!tpu.dma_semaphore, #tpu.memory_space<semaphore_mem>>) attributes {dimension_semantics = [#tpu.dimension_semantics<core_parallel>, #tpu.dimension_semantics<subcore_parallel>], iteration_bounds = array<i64: 2, 16>, scalar_prefetch = 0 : i64, scratch_operands = 3 : i64, tpu.core_type = #tpu.core_type<sc_vector_subcore>, window_params = [{transform_indices = #map}, {transform_indices = #map1}, {transform_indices = #map}]} {
    %mul3A = arith.constant 2 : i32
    %mul3A_0 = arith.muli %arg1, %mul3A : i32
    %add3A = arith.addi %mul3A_0, %arg0 : i32
    %mul3A_1 = arith.constant 32 : i32
    %mul3A_2 = arith.muli %add3A, %mul3A_1 : i32
    "tpu.region"() ({
      %run_scoped3A = tpu.sem_alloc : memref<!tpu.dma_semaphore, #tpu.memory_space<semaphore_mem>>
      %dma_start3A_7 = tpu.memref_slice %arg3[%mul3A_2] : memref<1024xi32, #tpu.memory_space<hbm>> -> memref<32xi32, #tpu.memory_space<hbm>>
      %dma_start3A_8 = tpu.memref_slice %arg3[%mul3A_2] : memref<1024xi32, #tpu.memory_space<hbm>> -> memref<32xi32, #tpu.memory_space<hbm>>
      tpu.enqueue_dma source(%dma_start3A_8 : memref<32xi32, #tpu.memory_space<hbm>>) target(%arg5 : memref<32xi32, #tpu.memory_space<vmem>>) target_semaphore(%run_scoped3A : memref<!tpu.dma_semaphore, #tpu.memory_space<semaphore_mem>>)
      %dma_wait3A_9 = tpu.memref_slice %arg3[%mul3A_2] : memref<1024xi32, #tpu.memory_space<hbm>> -> memref<32xi32, #tpu.memory_space<hbm>>
      %dma_wait3A_10 = tpu.memref_slice %arg3[%mul3A_2] : memref<1024xi32, #tpu.memory_space<hbm>> -> memref<32xi32, #tpu.memory_space<hbm>>
      tpu.wait_dma2 semaphore(%run_scoped3A : memref<!tpu.dma_semaphore, #tpu.memory_space<semaphore_mem>>) src(%dma_wait3A_10 : memref<32xi32, #tpu.memory_space<hbm>>) dst(%arg5 : memref<32xi32, #tpu.memory_space<vmem>>)
      tpu.yield
    }) : () -> ()
    %dma_start3A = arith.constant 0 : i32
    %dma_start3A_3 = arith.constant 0 : i32
    %dma_start3A_4 = tpu.memref_slice %arg2[%dma_start3A, %dma_start3A_3] : memref<8192x1024xf32, #tpu.memory_space<hbm>> -> memref<8192x1024xf32, #tpu.memory_space<hbm>>
    tpu.enqueue_indirect_dma source(%dma_start3A_4 : memref<8192x1024xf32, #tpu.memory_space<hbm>>) target(%arg6 : memref<32x1024xf32, #tpu.memory_space<vmem>>) offsets(%arg5 : memref<32xi32, #tpu.memory_space<vmem>>) semaphore(%arg7 : memref<!tpu.dma_semaphore, #tpu.memory_space<semaphore_mem>>)
    %dma_wait3A = arith.constant 0 : i32
    %dma_wait3A_5 = arith.constant 0 : i32
    %dma_wait3A_6 = tpu.memref_slice %arg2[%dma_wait3A, %dma_wait3A_5] : memref<8192x1024xf32, #tpu.memory_space<hbm>> -> memref<8192x1024xf32, #tpu.memory_space<hbm>>
    tpu.wait_indirect_dma semaphore(%arg7 : memref<!tpu.dma_semaphore, #tpu.memory_space<semaphore_mem>>) src(%dma_wait3A_6 : memref<8192x1024xf32, #tpu.memory_space<hbm>>) dst(%arg6 : memref<32x1024xf32, #tpu.memory_space<vmem>>)
    "tpu.region"() ({
      %run_scoped3A = tpu.sem_alloc : memref<!tpu.dma_semaphore, #tpu.memory_space<semaphore_mem>>
      %dma_start3A_7 = arith.constant 0 : i32
      %dma_start3A_8 = tpu.memref_slice %arg4[%mul3A_2, %dma_start3A_7] : memref<1024x1024xf32, #tpu.memory_space<hbm>> -> memref<32x1024xf32, #tpu.memory_space<hbm>>
      %dma_start3A_9 = arith.constant 0 : i32
      %dma_start3A_10 = tpu.memref_slice %arg4[%mul3A_2, %dma_start3A_9] : memref<1024x1024xf32, #tpu.memory_space<hbm>> -> memref<32x1024xf32, #tpu.memory_space<hbm>>
      tpu.enqueue_dma source(%arg6 : memref<32x1024xf32, #tpu.memory_space<vmem>>) target(%dma_start3A_10 : memref<32x1024xf32, #tpu.memory_space<hbm>>) target_semaphore(%run_scoped3A : memref<!tpu.dma_semaphore, #tpu.memory_space<semaphore_mem>>)
      %dma_wait3A_11 = arith.constant 0 : i32
      %dma_wait3A_12 = tpu.memref_slice %arg4[%mul3A_2, %dma_wait3A_11] : memref<1024x1024xf32, #tpu.memory_space<hbm>> -> memref<32x1024xf32, #tpu.memory_space<hbm>>
      %dma_wait3A_13 = arith.constant 0 : i32
      %dma_wait3A_14 = tpu.memref_slice %arg4[%mul3A_2, %dma_wait3A_13] : memref<1024x1024xf32, #tpu.memory_space<hbm>> -> memref<32x1024xf32, #tpu.memory_space<hbm>>
      tpu.wait_dma2 semaphore(%run_scoped3A : memref<!tpu.dma_semaphore, #tpu.memory_space<semaphore_mem>>) src(%arg6 : memref<32x1024xf32, #tpu.memory_space<vmem>>) dst(%dma_wait3A_14 : memref<32x1024xf32, #tpu.memory_space<hbm>>)
      tpu.yield
    }) : () -> ()
    return
  }
}

module attributes {stable_mosaic.version = 14 : i64} {
  func.func @_mlp_body(%arg0: memref<1024x1024xf32, #tpu.memory_space<vmem>>, %arg1: memref<1x1024xf32, #tpu.memory_space<vmem>>, %arg2: memref<1x1024xf32, #tpu.memory_space<vmem>>, %arg3: memref<1x4096xf32, #tpu.memory_space<vmem>>, %arg4: memref<1x1024xf32, #tpu.memory_space<vmem>>, %arg5: memref<1024x4096xf32, #tpu.memory_space<any>>, %arg6: memref<4096x1024xf32, #tpu.memory_space<any>>, %arg7: memref<1024x1024xf32, #tpu.memory_space<vmem>>, %arg8: memref<1024x1024xf32, #tpu.memory_space<vmem>>, %arg9: memref<2x1024x1024xf32, #tpu.memory_space<vmem>>, %arg10: memref<2x1024x1024xf32, #tpu.memory_space<vmem>>, %arg11: memref<2x!tpu.dma_semaphore, #tpu.memory_space<semaphore_mem>>, %arg12: memref<2x!tpu.dma_semaphore, #tpu.memory_space<semaphore_mem>>) attributes {dimension_semantics = [], scalar_prefetch = 0 : i64, scratch_operands = 5 : i64, tpu.core_type = #tpu.core_type<tc>} {
    %dma_start3A = arith.constant 0 : i32
    %dma_start3A_0 = arith.constant 0 : i32
    %dma_start3A_1 = tpu.memref_slice %arg11[%dma_start3A_0] : memref<2x!tpu.dma_semaphore, #tpu.memory_space<semaphore_mem>> -> memref<1x!tpu.dma_semaphore, #tpu.memory_space<semaphore_mem>>
    %dma_start3A_2 = tpu.memref_squeeze %dma_start3A_1 : memref<1x!tpu.dma_semaphore, #tpu.memory_space<semaphore_mem>> -> memref<!tpu.dma_semaphore, #tpu.memory_space<semaphore_mem>>
    %dma_start3A_3 = arith.constant 0 : i32
    %dma_start3A_4 = arith.constant 0 : i32
    %dma_start3A_5 = tpu.memref_slice %arg9[%dma_start3A, %dma_start3A_3, %dma_start3A_4] : memref<2x1024x1024xf32, #tpu.memory_space<vmem>> -> memref<1x1024x1024xf32, #tpu.memory_space<vmem>>
    %dma_start3A_6 = tpu.memref_squeeze %dma_start3A_5 : memref<1x1024x1024xf32, #tpu.memory_space<vmem>> -> memref<1024x1024xf32, #tpu.memory_space<vmem>>
    %dma_start3A_7 = arith.constant 0 : i32
    %dma_start3A_8 = arith.constant 0 : i32
    %dma_start3A_9 = tpu.memref_slice %arg5[%dma_start3A_7, %dma_start3A_8] : memref<1024x4096xf32, #tpu.memory_space<any>> -> memref<1024x1024xf32, #tpu.memory_space<any>>
    tpu.enqueue_dma source(%dma_start3A_9 : memref<1024x1024xf32, #tpu.memory_space<any>>) target(%dma_start3A_6 : memref<1024x1024xf32, #tpu.memory_space<vmem>>) target_semaphore(%dma_start3A_2 : memref<!tpu.dma_semaphore, #tpu.memory_space<semaphore_mem>>)
    %dma_start3A_10 = arith.constant 0 : i32
    %dma_start3A_11 = arith.constant 0 : i32
    %dma_start3A_12 = tpu.memref_slice %arg12[%dma_start3A_11] : memref<2x!tpu.dma_semaphore, #tpu.memory_space<semaphore_mem>> -> memref<1x!tpu.dma_semaphore, #tpu.memory_space<semaphore_mem>>
    %dma_start3A_13 = tpu.memref_squeeze %dma_start3A_12 : memref<1x!tpu.dma_semaphore, #tpu.memory_space<semaphore_mem>> -> memref<!tpu.dma_semaphore, #tpu.memory_space<semaphore_mem>>
    %dma_start3A_14 = arith.constant 0 : i32
    %dma_start3A_15 = arith.constant 0 : i32
    %dma_start3A_16 = tpu.memref_slice %arg10[%dma_start3A_10, %dma_start3A_14, %dma_start3A_15] : memref<2x1024x1024xf32, #tpu.memory_space<vmem>> -> memref<1x1024x1024xf32, #tpu.memory_space<vmem>>
    %dma_start3A_17 = tpu.memref_squeeze %dma_start3A_16 : memref<1x1024x1024xf32, #tpu.memory_space<vmem>> -> memref<1024x1024xf32, #tpu.memory_space<vmem>>
    %dma_start3A_18 = arith.constant 0 : i32
    %dma_start3A_19 = arith.constant 0 : i32
    %dma_start3A_20 = tpu.memref_slice %arg6[%dma_start3A_18, %dma_start3A_19] : memref<4096x1024xf32, #tpu.memory_space<any>> -> memref<1024x1024xf32, #tpu.memory_space<any>>
    tpu.enqueue_dma source(%dma_start3A_20 : memref<1024x1024xf32, #tpu.memory_space<any>>) target(%dma_start3A_17 : memref<1024x1024xf32, #tpu.memory_space<vmem>>) target_semaphore(%dma_start3A_13 : memref<!tpu.dma_semaphore, #tpu.memory_space<semaphore_mem>>)
    %dma_start3A_21 = arith.constant 1 : i32
    %dma_start3A_22 = arith.constant 1 : i32
    %dma_start3A_23 = tpu.memref_slice %arg11[%dma_start3A_22] : memref<2x!tpu.dma_semaphore, #tpu.memory_space<semaphore_mem>> -> memref<1x!tpu.dma_semaphore, #tpu.memory_space<semaphore_mem>>
    %dma_start3A_24 = tpu.memref_squeeze %dma_start3A_23 : memref<1x!tpu.dma_semaphore, #tpu.memory_space<semaphore_mem>> -> memref<!tpu.dma_semaphore, #tpu.memory_space<semaphore_mem>>
    %dma_start3A_25 = arith.constant 0 : i32
    %dma_start3A_26 = arith.constant 0 : i32
    %dma_start3A_27 = tpu.memref_slice %arg9[%dma_start3A_21, %dma_start3A_25, %dma_start3A_26] : memref<2x1024x1024xf32, #tpu.memory_space<vmem>> -> memref<1x1024x1024xf32, #tpu.memory_space<vmem>>
    %dma_start3A_28 = tpu.memref_squeeze %dma_start3A_27 : memref<1x1024x1024xf32, #tpu.memory_space<vmem>> -> memref<1024x1024xf32, #tpu.memory_space<vmem>>
    %dma_start3A_29 = arith.constant 0 : i32
    %dma_start3A_30 = arith.constant 1024 : i32
    %dma_start3A_31 = tpu.memref_slice %arg5[%dma_start3A_29, %dma_start3A_30] : memref<1024x4096xf32, #tpu.memory_space<any>> -> memref<1024x1024xf32, #tpu.memory_space<any>>
    tpu.enqueue_dma source(%dma_start3A_31 : memref<1024x1024xf32, #tpu.memory_space<any>>) target(%dma_start3A_28 : memref<1024x1024xf32, #tpu.memory_space<vmem>>) target_semaphore(%dma_start3A_24 : memref<!tpu.dma_semaphore, #tpu.memory_space<semaphore_mem>>)
    %dma_start3A_32 = arith.constant 1 : i32
    %dma_start3A_33 = arith.constant 1 : i32
    %dma_start3A_34 = tpu.memref_slice %arg12[%dma_start3A_33] : memref<2x!tpu.dma_semaphore, #tpu.memory_space<semaphore_mem>> -> memref<1x!tpu.dma_semaphore, #tpu.memory_space<semaphore_mem>>
    %dma_start3A_35 = tpu.memref_squeeze %dma_start3A_34 : memref<1x!tpu.dma_semaphore, #tpu.memory_space<semaphore_mem>> -> memref<!tpu.dma_semaphore, #tpu.memory_space<semaphore_mem>>
    %dma_start3A_36 = arith.constant 0 : i32
    %dma_start3A_37 = arith.constant 0 : i32
    %dma_start3A_38 = tpu.memref_slice %arg10[%dma_start3A_32, %dma_start3A_36, %dma_start3A_37] : memref<2x1024x1024xf32, #tpu.memory_space<vmem>> -> memref<1x1024x1024xf32, #tpu.memory_space<vmem>>
    %dma_start3A_39 = tpu.memref_squeeze %dma_start3A_38 : memref<1x1024x1024xf32, #tpu.memory_space<vmem>> -> memref<1024x1024xf32, #tpu.memory_space<vmem>>
    %dma_start3A_40 = arith.constant 1024 : i32
    %dma_start3A_41 = arith.constant 0 : i32
    %dma_start3A_42 = tpu.memref_slice %arg6[%dma_start3A_40, %dma_start3A_41] : memref<4096x1024xf32, #tpu.memory_space<any>> -> memref<1024x1024xf32, #tpu.memory_space<any>>
    tpu.enqueue_dma source(%dma_start3A_42 : memref<1024x1024xf32, #tpu.memory_space<any>>) target(%dma_start3A_39 : memref<1024x1024xf32, #tpu.memory_space<vmem>>) target_semaphore(%dma_start3A_35 : memref<!tpu.dma_semaphore, #tpu.memory_space<semaphore_mem>>)
    %get3A = arith.constant 0 : index
    %get3A_43 = arith.constant 0 : index
    %get3A_44 = vector.load %arg0[%get3A, %get3A_43] : memref<1024x1024xf32, #tpu.memory_space<vmem>>, vector<1024x1024xf32>
    %reduce_sum3A = arith.constant dense<0.000000e+00> : vector<1024xf32>
    %reduce_sum3A_45 = vector.multi_reduction <add>, %get3A_44, %reduce_sum3A [1] : vector<1024x1024xf32> to vector<1024xf32>
    %broadcast_in_dim3A = vector.shape_cast %reduce_sum3A_45 : vector<1024xf32> to vector<1024x1xf32>
    %div3A = arith.constant 1.024000e+03 : f32
    %div3A_46 = vector.broadcast %div3A : f32 to vector<1024x1xf32>
    %div3A_47 = arith.divf %broadcast_in_dim3A, %div3A_46 : vector<1024x1xf32>
    %sub3A = vector.broadcast %div3A_47 : vector<1024x1xf32> to vector<1024x1024xf32>
    %sub3A_48 = arith.subf %get3A_44, %sub3A : vector<1024x1024xf32>
    %integer_pow3A = arith.mulf %sub3A_48, %sub3A_48 : vector<1024x1024xf32>
    %reduce_sum3A_49 = arith.constant dense<0.000000e+00> : vector<1024xf32>
    %reduce_sum3A_50 = vector.multi_reduction <add>, %integer_pow3A, %reduce_sum3A_49 [1] : vector<1024x1024xf32> to vector<1024xf32>
    %broadcast_in_dim3A_51 = vector.shape_cast %reduce_sum3A_50 : vector<1024xf32> to vector<1024x1xf32>
    %div3A_52 = arith.constant 1.024000e+03 : f32
    %div3A_53 = vector.broadcast %div3A_52 : f32 to vector<1024x1xf32>
    %div3A_54 = arith.divf %broadcast_in_dim3A_51, %div3A_53 : vector<1024x1xf32>
    %sub3A_55 = vector.broadcast %div3A_47 : vector<1024x1xf32> to vector<1024x1024xf32>
    %sub3A_56 = arith.subf %get3A_44, %sub3A_55 : vector<1024x1024xf32>
    %add3A = arith.constant 9.99999974E-6 : f32
    %add3A_57 = vector.broadcast %add3A : f32 to vector<1024x1xf32>
    %add3A_58 = arith.addf %div3A_54, %add3A_57 : vector<1024x1xf32>
    %rsqrt3A = math.rsqrt %add3A_58 : vector<1024x1xf32>
    %mul3A = vector.broadcast %rsqrt3A : vector<1024x1xf32> to vector<1024x1024xf32>
    %mul3A_59 = arith.mulf %sub3A_56, %mul3A : vector<1024x1024xf32>
    %get3A_60 = arith.constant 0 : index
    %get3A_61 = arith.constant 0 : index
    %get3A_62 = vector.load %arg1[%get3A_60, %get3A_61] : memref<1x1024xf32, #tpu.memory_space<vmem>>, vector<1x1024xf32>
    %mul3A_63 = vector.broadcast %get3A_62 : vector<1x1024xf32> to vector<1024x1024xf32>
    %mul3A_64 = arith.mulf %mul3A_59, %mul3A_63 : vector<1024x1024xf32>
    %get3A_65 = arith.constant 0 : index
    %get3A_66 = arith.constant 0 : index
    %get3A_67 = vector.load %arg2[%get3A_65, %get3A_66] : memref<1x1024xf32, #tpu.memory_space<vmem>>, vector<1x1024xf32>
    %add3A_68 = vector.broadcast %get3A_67 : vector<1x1024xf32> to vector<1024x1024xf32>
    %add3A_69 = arith.addf %mul3A_64, %add3A_68 : vector<1024x1024xf32>
    %swap3A = arith.constant 0 : index
    %swap3A_70 = arith.constant 0 : index
    %swap3A_71 = vector.load %arg8[%swap3A, %swap3A_70] : memref<1024x1024xf32, #tpu.memory_space<vmem>>, vector<1024x1024xf32>
    tpu.vector_store %arg8[%swap3A, %swap3A_70], %add3A_69 {strides = array<i32>} : memref<1024x1024xf32, #tpu.memory_space<vmem>>, vector<1024x1024xf32>,
    %get3A_72 = arith.constant 0 : index
    %get3A_73 = arith.constant 0 : index
    %get3A_74 = vector.load %arg4[%get3A_72, %get3A_73] : memref<1x1024xf32, #tpu.memory_space<vmem>>, vector<1x1024xf32>
    %broadcast_in_dim3A_75 = vector.shape_cast %get3A_74 : vector<1x1024xf32> to vector<1x1024xf32>
    %broadcast_in_dim3A_76 = vector.broadcast %broadcast_in_dim3A_75 : vector<1x1024xf32> to vector<1024x1024xf32>
    %swap3A_77 = arith.constant 0 : index
    %swap3A_78 = arith.constant 0 : index
    %swap3A_79 = vector.load %arg7[%swap3A_77, %swap3A_78] : memref<1024x1024xf32, #tpu.memory_space<vmem>>, vector<1024x1024xf32>
    tpu.vector_store %arg7[%swap3A_77, %swap3A_78], %broadcast_in_dim3A_76 {strides = array<i32>} : memref<1024x1024xf32, #tpu.memory_space<vmem>>, vector<1024x1024xf32>,
    %dma_wait3A = arith.constant 0 : i32
    %dma_wait3A_80 = arith.constant 0 : i32
    %dma_wait3A_81 = tpu.memref_slice %arg11[%dma_wait3A_80] : memref<2x!tpu.dma_semaphore, #tpu.memory_space<semaphore_mem>> -> memref<1x!tpu.dma_semaphore, #tpu.memory_space<semaphore_mem>>
    %dma_wait3A_82 = tpu.memref_squeeze %dma_wait3A_81 : memref<1x!tpu.dma_semaphore, #tpu.memory_space<semaphore_mem>> -> memref<!tpu.dma_semaphore, #tpu.memory_space<semaphore_mem>>
    %dma_wait3A_83 = arith.constant 0 : i32
    %dma_wait3A_84 = arith.constant 0 : i32
    %dma_wait3A_85 = tpu.memref_slice %arg9[%dma_wait3A, %dma_wait3A_83, %dma_wait3A_84] : memref<2x1024x1024xf32, #tpu.memory_space<vmem>> -> memref<1x1024x1024xf32, #tpu.memory_space<vmem>>
    %dma_wait3A_86 = tpu.memref_squeeze %dma_wait3A_85 : memref<1x1024x1024xf32, #tpu.memory_space<vmem>> -> memref<1024x1024xf32, #tpu.memory_space<vmem>>
    %dma_wait3A_87 = arith.constant 0 : i32
    %dma_wait3A_88 = arith.constant 0 : i32
    %dma_wait3A_89 = tpu.memref_slice %arg5[%dma_wait3A_87, %dma_wait3A_88] : memref<1024x4096xf32, #tpu.memory_space<any>> -> memref<1024x1024xf32, #tpu.memory_space<any>>
    tpu.wait_dma2 semaphore(%dma_wait3A_82 : memref<!tpu.dma_semaphore, #tpu.memory_space<semaphore_mem>>) src(%dma_wait3A_89 : memref<1024x1024xf32, #tpu.memory_space<any>>) dst(%dma_wait3A_86 : memref<1024x1024xf32, #tpu.memory_space<vmem>>)
    %dma_wait3A_90 = arith.constant 0 : i32
    %dma_wait3A_91 = arith.constant 0 : i32
    %dma_wait3A_92 = tpu.memref_slice %arg12[%dma_wait3A_91] : memref<2x!tpu.dma_semaphore, #tpu.memory_space<semaphore_mem>> -> memref<1x!tpu.dma_semaphore, #tpu.memory_space<semaphore_mem>>
    %dma_wait3A_93 = tpu.memref_squeeze %dma_wait3A_92 : memref<1x!tpu.dma_semaphore, #tpu.memory_space<semaphore_mem>> -> memref<!tpu.dma_semaphore, #tpu.memory_space<semaphore_mem>>
    %dma_wait3A_94 = arith.constant 0 : i32
    %dma_wait3A_95 = arith.constant 0 : i32
    %dma_wait3A_96 = tpu.memref_slice %arg10[%dma_wait3A_90, %dma_wait3A_94, %dma_wait3A_95] : memref<2x1024x1024xf32, #tpu.memory_space<vmem>> -> memref<1x1024x1024xf32, #tpu.memory_space<vmem>>
    %dma_wait3A_97 = tpu.memref_squeeze %dma_wait3A_96 : memref<1x1024x1024xf32, #tpu.memory_space<vmem>> -> memref<1024x1024xf32, #tpu.memory_space<vmem>>
    %dma_wait3A_98 = arith.constant 0 : i32
    %dma_wait3A_99 = arith.constant 0 : i32
    %dma_wait3A_100 = tpu.memref_slice %arg6[%dma_wait3A_98, %dma_wait3A_99] : memref<4096x1024xf32, #tpu.memory_space<any>> -> memref<1024x1024xf32, #tpu.memory_space<any>>
    tpu.wait_dma2 semaphore(%dma_wait3A_93 : memref<!tpu.dma_semaphore, #tpu.memory_space<semaphore_mem>>) src(%dma_wait3A_100 : memref<1024x1024xf32, #tpu.memory_space<any>>) dst(%dma_wait3A_97 : memref<1024x1024xf32, #tpu.memory_space<vmem>>)
    %get3A_101 = arith.constant 0 : index
    %get3A_102 = arith.constant 0 : index
    %get3A_103 = vector.load %arg8[%get3A_101, %get3A_102] : memref<1024x1024xf32, #tpu.memory_space<vmem>>, vector<1024x1024xf32>
    %get3A_104 = arith.constant 0 : index
    %get3A_105 = arith.constant 0 : index
    %get3A_106 = arith.constant 0 : index
    %get3A_107 = vector.load %arg9[%get3A_104, %get3A_105, %get3A_106] : memref<2x1024x1024xf32, #tpu.memory_space<vmem>>, vector<1x1024x1024xf32>
    %get3A_108 = vector.shape_cast %get3A_107 : vector<1x1024x1024xf32> to vector<1024x1024xf32>
    %dot_general3A = arith.constant dense<0.000000e+00> : vector<1024x1024xf32>
    %dot_general3A_109 = tpu.matmul %get3A_103, %get3A_108, %dot_general3A {dimension_numbers = #tpu.dot_dimension_numbers<[1], [0], [0], [1], [0, 0, 1, 1], [], []>, transpose_lhs_hint = false} : vector<1024x1024xf32>, vector<1024x1024xf32>, vector<1024x1024xf32> -> vector<1024x1024xf32>
    %get3A_110 = arith.constant 0 : index
    %get3A_111 = arith.constant 0 : index
    %get3A_112 = vector.load %arg3[%get3A_110, %get3A_111] : memref<1x4096xf32, #tpu.memory_space<vmem>>, vector<1x1024xf32>
    %add3A_113 = vector.broadcast %get3A_112 : vector<1x1024xf32> to vector<1024x1024xf32>
    %add3A_114 = arith.addf %dot_general3A_109, %add3A_113 : vector<1024x1024xf32>
    %integer_pow3A_115 = arith.mulf %add3A_114, %add3A_114 : vector<1024x1024xf32>
    %integer_pow3A_116 = arith.mulf %add3A_114, %integer_pow3A_115 : vector<1024x1024xf32>
    %mul3A_117 = arith.constant 4.471500e-02 : f32
    %mul3A_118 = vector.broadcast %mul3A_117 : f32 to vector<1024x1024xf32>
    %mul3A_119 = arith.mulf %mul3A_118, %integer_pow3A_116 : vector<1024x1024xf32>
    %add3A_120 = arith.addf %add3A_114, %mul3A_119 : vector<1024x1024xf32>
    %mul3A_121 = arith.constant 0.797884583 : f32
    %mul3A_122 = vector.broadcast %mul3A_121 : f32 to vector<1024x1024xf32>
    %mul3A_123 = arith.mulf %mul3A_122, %add3A_120 : vector<1024x1024xf32>
    %tanh3A = math.tanh %mul3A_123 : vector<1024x1024xf32>
    %add3A_124 = arith.constant 1.000000e+00 : f32
    %add3A_125 = vector.broadcast %add3A_124 : f32 to vector<1024x1024xf32>
    %add3A_126 = arith.addf %add3A_125, %tanh3A : vector<1024x1024xf32>
    %mul3A_127 = arith.constant 5.000000e-01 : f32
    %mul3A_128 = vector.broadcast %mul3A_127 : f32 to vector<1024x1024xf32>
    %mul3A_129 = arith.mulf %mul3A_128, %add3A_126 : vector<1024x1024xf32>
    %mul3A_130 = arith.mulf %add3A_114, %mul3A_129 : vector<1024x1024xf32>
    %get3A_131 = arith.constant 0 : index
    %get3A_132 = arith.constant 0 : index
    %get3A_133 = vector.load %arg7[%get3A_131, %get3A_132] : memref<1024x1024xf32, #tpu.memory_space<vmem>>, vector<1024x1024xf32>
    %get3A_134 = arith.constant 0 : index
    %get3A_135 = arith.constant 0 : index
    %get3A_136 = arith.constant 0 : index
    %get3A_137 = vector.load %arg10[%get3A_134, %get3A_135, %get3A_136] : memref<2x1024x1024xf32, #tpu.memory_space<vmem>>, vector<1x1024x1024xf32>
    %get3A_138 = vector.shape_cast %get3A_137 : vector<1x1024x1024xf32> to vector<1024x1024xf32>
    %dot_general3A_139 = arith.constant dense<0.000000e+00> : vector<1024x1024xf32>
    %dot_general3A_140 = tpu.matmul %mul3A_130, %get3A_138, %dot_general3A_139 {dimension_numbers = #tpu.dot_dimension_numbers<[1], [0], [0], [1], [0, 0, 1, 1], [], []>, transpose_lhs_hint = false} : vector<1024x1024xf32>, vector<1024x1024xf32>, vector<1024x1024xf32> -> vector<1024x1024xf32>
    %add3A_141 = arith.addf %get3A_133, %dot_general3A_140 : vector<1024x1024xf32>
    %swap3A_142 = arith.constant 0 : index
    %swap3A_143 = arith.constant 0 : index
    %swap3A_144 = vector.load %arg7[%swap3A_142, %swap3A_143] : memref<1024x1024xf32, #tpu.memory_space<vmem>>, vector<1024x1024xf32>
    tpu.vector_store %arg7[%swap3A_142, %swap3A_143], %add3A_141 {strides = array<i32>} : memref<1024x1024xf32, #tpu.memory_space<vmem>>, vector<1024x1024xf32>,
    %dma_start3A_145 = arith.constant 0 : i32
    %dma_start3A_146 = arith.constant 0 : i32
    %dma_start3A_147 = tpu.memref_slice %arg11[%dma_start3A_146] : memref<2x!tpu.dma_semaphore, #tpu.memory_space<semaphore_mem>> -> memref<1x!tpu.dma_semaphore, #tpu.memory_space<semaphore_mem>>
    %dma_start3A_148 = tpu.memref_squeeze %dma_start3A_147 : memref<1x!tpu.dma_semaphore, #tpu.memory_space<semaphore_mem>> -> memref<!tpu.dma_semaphore, #tpu.memory_space<semaphore_mem>>
    %dma_start3A_149 = arith.constant 0 : i32
    %dma_start3A_150 = arith.constant 0 : i32
    %dma_start3A_151 = tpu.memref_slice %arg9[%dma_start3A_145, %dma_start3A_149, %dma_start3A_150] : memref<2x1024x1024xf32, #tpu.memory_space<vmem>> -> memref<1x1024x1024xf32, #tpu.memory_space<vmem>>
    %dma_start3A_152 = tpu.memref_squeeze %dma_start3A_151 : memref<1x1024x1024xf32, #tpu.memory_space<vmem>> -> memref<1024x1024xf32, #tpu.memory_space<vmem>>
    %dma_start3A_153 = arith.constant 0 : i32
    %dma_start3A_154 = arith.constant 2048 : i32
    %dma_start3A_155 = tpu.memref_slice %arg5[%dma_start3A_153, %dma_start3A_154] : memref<1024x4096xf32, #tpu.memory_space<any>> -> memref<1024x1024xf32, #tpu.memory_space<any>>
    tpu.enqueue_dma source(%dma_start3A_155 : memref<1024x1024xf32, #tpu.memory_space<any>>) target(%dma_start3A_152 : memref<1024x1024xf32, #tpu.memory_space<vmem>>) target_semaphore(%dma_start3A_148 : memref<!tpu.dma_semaphore, #tpu.memory_space<semaphore_mem>>)
    %dma_start3A_156 = arith.constant 0 : i32
    %dma_start3A_157 = arith.constant 0 : i32
    %dma_start3A_158 = tpu.memref_slice %arg12[%dma_start3A_157] : memref<2x!tpu.dma_semaphore, #tpu.memory_space<semaphore_mem>> -> memref<1x!tpu.dma_semaphore, #tpu.memory_space<semaphore_mem>>
    %dma_start3A_159 = tpu.memref_squeeze %dma_start3A_158 : memref<1x!tpu.dma_semaphore, #tpu.memory_space<semaphore_mem>> -> memref<!tpu.dma_semaphore, #tpu.memory_space<semaphore_mem>>
    %dma_start3A_160 = arith.constant 0 : i32
    %dma_start3A_161 = arith.constant 0 : i32
    %dma_start3A_162 = tpu.memref_slice %arg10[%dma_start3A_156, %dma_start3A_160, %dma_start3A_161] : memref<2x1024x1024xf32, #tpu.memory_space<vmem>> -> memref<1x1024x1024xf32, #tpu.memory_space<vmem>>
    %dma_start3A_163 = tpu.memref_squeeze %dma_start3A_162 : memref<1x1024x1024xf32, #tpu.memory_space<vmem>> -> memref<1024x1024xf32, #tpu.memory_space<vmem>>
    %dma_start3A_164 = arith.constant 2048 : i32
    %dma_start3A_165 = arith.constant 0 : i32
    %dma_start3A_166 = tpu.memref_slice %arg6[%dma_start3A_164, %dma_start3A_165] : memref<4096x1024xf32, #tpu.memory_space<any>> -> memref<1024x1024xf32, #tpu.memory_space<any>>
    tpu.enqueue_dma source(%dma_start3A_166 : memref<1024x1024xf32, #tpu.memory_space<any>>) target(%dma_start3A_163 : memref<1024x1024xf32, #tpu.memory_space<vmem>>) target_semaphore(%dma_start3A_159 : memref<!tpu.dma_semaphore, #tpu.memory_space<semaphore_mem>>)
    %dma_wait3A_167 = arith.constant 1 : i32
    %dma_wait3A_168 = arith.constant 1 : i32
    %dma_wait3A_169 = tpu.memref_slice %arg11[%dma_wait3A_168] : memref<2x!tpu.dma_semaphore, #tpu.memory_space<semaphore_mem>> -> memref<1x!tpu.dma_semaphore, #tpu.memory_space<semaphore_mem>>
    %dma_wait3A_170 = tpu.memref_squeeze %dma_wait3A_169 : memref<1x!tpu.dma_semaphore, #tpu.memory_space<semaphore_mem>> -> memref<!tpu.dma_semaphore, #tpu.memory_space<semaphore_mem>>
    %dma_wait3A_171 = arith.constant 0 : i32
    %dma_wait3A_172 = arith.constant 0 : i32
    %dma_wait3A_173 = tpu.memref_slice %arg9[%dma_wait3A_167, %dma_wait3A_171, %dma_wait3A_172] : memref<2x1024x1024xf32, #tpu.memory_space<vmem>> -> memref<1x1024x1024xf32, #tpu.memory_space<vmem>>
    %dma_wait3A_174 = tpu.memref_squeeze %dma_wait3A_173 : memref<1x1024x1024xf32, #tpu.memory_space<vmem>> -> memref<1024x1024xf32, #tpu.memory_space<vmem>>
    %dma_wait3A_175 = arith.constant 0 : i32
    %dma_wait3A_176 = arith.constant 1024 : i32
    %dma_wait3A_177 = tpu.memref_slice %arg5[%dma_wait3A_175, %dma_wait3A_176] : memref<1024x4096xf32, #tpu.memory_space<any>> -> memref<1024x1024xf32, #tpu.memory_space<any>>
    tpu.wait_dma2 semaphore(%dma_wait3A_170 : memref<!tpu.dma_semaphore, #tpu.memory_space<semaphore_mem>>) src(%dma_wait3A_177 : memref<1024x1024xf32, #tpu.memory_space<any>>) dst(%dma_wait3A_174 : memref<1024x1024xf32, #tpu.memory_space<vmem>>)
    %dma_wait3A_178 = arith.constant 1 : i32
    %dma_wait3A_179 = arith.constant 1 : i32
    %dma_wait3A_180 = tpu.memref_slice %arg12[%dma_wait3A_179] : memref<2x!tpu.dma_semaphore, #tpu.memory_space<semaphore_mem>> -> memref<1x!tpu.dma_semaphore, #tpu.memory_space<semaphore_mem>>
    %dma_wait3A_181 = tpu.memref_squeeze %dma_wait3A_180 : memref<1x!tpu.dma_semaphore, #tpu.memory_space<semaphore_mem>> -> memref<!tpu.dma_semaphore, #tpu.memory_space<semaphore_mem>>
    %dma_wait3A_182 = arith.constant 0 : i32
    %dma_wait3A_183 = arith.constant 0 : i32
    %dma_wait3A_184 = tpu.memref_slice %arg10[%dma_wait3A_178, %dma_wait3A_182, %dma_wait3A_183] : memref<2x1024x1024xf32, #tpu.memory_space<vmem>> -> memref<1x1024x1024xf32, #tpu.memory_space<vmem>>
    %dma_wait3A_185 = tpu.memref_squeeze %dma_wait3A_184 : memref<1x1024x1024xf32, #tpu.memory_space<vmem>> -> memref<1024x1024xf32, #tpu.memory_space<vmem>>
    %dma_wait3A_186 = arith.constant 1024 : i32
    %dma_wait3A_187 = arith.constant 0 : i32
    %dma_wait3A_188 = tpu.memref_slice %arg6[%dma_wait3A_186, %dma_wait3A_187] : memref<4096x1024xf32, #tpu.memory_space<any>> -> memref<1024x1024xf32, #tpu.memory_space<any>>
    tpu.wait_dma2 semaphore(%dma_wait3A_181 : memref<!tpu.dma_semaphore, #tpu.memory_space<semaphore_mem>>) src(%dma_wait3A_188 : memref<1024x1024xf32, #tpu.memory_space<any>>) dst(%dma_wait3A_185 : memref<1024x1024xf32, #tpu.memory_space<vmem>>)
    %get3A_189 = arith.constant 0 : index
    %get3A_190 = arith.constant 0 : index
    %get3A_191 = vector.load %arg8[%get3A_189, %get3A_190] : memref<1024x1024xf32, #tpu.memory_space<vmem>>, vector<1024x1024xf32>
    %get3A_192 = arith.constant 1 : index
    %get3A_193 = arith.constant 0 : index
    %get3A_194 = arith.constant 0 : index
    %get3A_195 = vector.load %arg9[%get3A_192, %get3A_193, %get3A_194] : memref<2x1024x1024xf32, #tpu.memory_space<vmem>>, vector<1x1024x1024xf32>
    %get3A_196 = vector.shape_cast %get3A_195 : vector<1x1024x1024xf32> to vector<1024x1024xf32>
    %dot_general3A_197 = arith.constant dense<0.000000e+00> : vector<1024x1024xf32>
    %dot_general3A_198 = tpu.matmul %get3A_191, %get3A_196, %dot_general3A_197 {dimension_numbers = #tpu.dot_dimension_numbers<[1], [0], [0], [1], [0, 0, 1, 1], [], []>, transpose_lhs_hint = false} : vector<1024x1024xf32>, vector<1024x1024xf32>, vector<1024x1024xf32> -> vector<1024x1024xf32>
    %get3A_199 = arith.constant 0 : index
    %get3A_200 = arith.constant 1024 : index
    %get3A_201 = vector.load %arg3[%get3A_199, %get3A_200] : memref<1x4096xf32, #tpu.memory_space<vmem>>, vector<1x1024xf32>
    %add3A_202 = vector.broadcast %get3A_201 : vector<1x1024xf32> to vector<1024x1024xf32>
    %add3A_203 = arith.addf %dot_general3A_198, %add3A_202 : vector<1024x1024xf32>
    %integer_pow3A_204 = arith.mulf %add3A_203, %add3A_203 : vector<1024x1024xf32>
    %integer_pow3A_205 = arith.mulf %add3A_203, %integer_pow3A_204 : vector<1024x1024xf32>
    %mul3A_206 = arith.constant 4.471500e-02 : f32
    %mul3A_207 = vector.broadcast %mul3A_206 : f32 to vector<1024x1024xf32>
    %mul3A_208 = arith.mulf %mul3A_207, %integer_pow3A_205 : vector<1024x1024xf32>
    %add3A_209 = arith.addf %add3A_203, %mul3A_208 : vector<1024x1024xf32>
    %mul3A_210 = arith.constant 0.797884583 : f32
    %mul3A_211 = vector.broadcast %mul3A_210 : f32 to vector<1024x1024xf32>
    %mul3A_212 = arith.mulf %mul3A_211, %add3A_209 : vector<1024x1024xf32>
    %tanh3A_213 = math.tanh %mul3A_212 : vector<1024x1024xf32>
    %add3A_214 = arith.constant 1.000000e+00 : f32
    %add3A_215 = vector.broadcast %add3A_214 : f32 to vector<1024x1024xf32>
    %add3A_216 = arith.addf %add3A_215, %tanh3A_213 : vector<1024x1024xf32>
    %mul3A_217 = arith.constant 5.000000e-01 : f32
    %mul3A_218 = vector.broadcast %mul3A_217 : f32 to vector<1024x1024xf32>
    %mul3A_219 = arith.mulf %mul3A_218, %add3A_216 : vector<1024x1024xf32>
    %mul3A_220 = arith.mulf %add3A_203, %mul3A_219 : vector<1024x1024xf32>
    %get3A_221 = arith.constant 0 : index
    %get3A_222 = arith.constant 0 : index
    %get3A_223 = vector.load %arg7[%get3A_221, %get3A_222] : memref<1024x1024xf32, #tpu.memory_space<vmem>>, vector<1024x1024xf32>
    %get3A_224 = arith.constant 1 : index
    %get3A_225 = arith.constant 0 : index
    %get3A_226 = arith.constant 0 : index
    %get3A_227 = vector.load %arg10[%get3A_224, %get3A_225, %get3A_226] : memref<2x1024x1024xf32, #tpu.memory_space<vmem>>, vector<1x1024x1024xf32>
    %get3A_228 = vector.shape_cast %get3A_227 : vector<1x1024x1024xf32> to vector<1024x1024xf32>
    %dot_general3A_229 = arith.constant dense<0.000000e+00> : vector<1024x1024xf32>
    %dot_general3A_230 = tpu.matmul %mul3A_220, %get3A_228, %dot_general3A_229 {dimension_numbers = #tpu.dot_dimension_numbers<[1], [0], [0], [1], [0, 0, 1, 1], [], []>, transpose_lhs_hint = false} : vector<1024x1024xf32>, vector<1024x1024xf32>, vector<1024x1024xf32> -> vector<1024x1024xf32>
    %add3A_231 = arith.addf %get3A_223, %dot_general3A_230 : vector<1024x1024xf32>
    %swap3A_232 = arith.constant 0 : index
    %swap3A_233 = arith.constant 0 : index
    %swap3A_234 = vector.load %arg7[%swap3A_232, %swap3A_233] : memref<1024x1024xf32, #tpu.memory_space<vmem>>, vector<1024x1024xf32>
    tpu.vector_store %arg7[%swap3A_232, %swap3A_233], %add3A_231 {strides = array<i32>} : memref<1024x1024xf32, #tpu.memory_space<vmem>>, vector<1024x1024xf32>,
    %dma_start3A_235 = arith.constant 1 : i32
    %dma_start3A_236 = arith.constant 1 : i32
    %dma_start3A_237 = tpu.memref_slice %arg11[%dma_start3A_236] : memref<2x!tpu.dma_semaphore, #tpu.memory_space<semaphore_mem>> -> memref<1x!tpu.dma_semaphore, #tpu.memory_space<semaphore_mem>>
    %dma_start3A_238 = tpu.memref_squeeze %dma_start3A_237 : memref<1x!tpu.dma_semaphore, #tpu.memory_space<semaphore_mem>> -> memref<!tpu.dma_semaphore, #tpu.memory_space<semaphore_mem>>
    %dma_start3A_239 = arith.constant 0 : i32
    %dma_start3A_240 = arith.constant 0 : i32
    %dma_start3A_241 = tpu.memref_slice %arg9[%dma_start3A_235, %dma_start3A_239, %dma_start3A_240] : memref<2x1024x1024xf32, #tpu.memory_space<vmem>> -> memref<1x1024x1024xf32, #tpu.memory_space<vmem>>
    %dma_start3A_242 = tpu.memref_squeeze %dma_start3A_241 : memref<1x1024x1024xf32, #tpu.memory_space<vmem>> -> memref<1024x1024xf32, #tpu.memory_space<vmem>>
    %dma_start3A_243 = arith.constant 0 : i32
    %dma_start3A_244 = arith.constant 3072 : i32
    %dma_start3A_245 = tpu.memref_slice %arg5[%dma_start3A_243, %dma_start3A_244] : memref<1024x4096xf32, #tpu.memory_space<any>> -> memref<1024x1024xf32, #tpu.memory_space<any>>
    tpu.enqueue_dma source(%dma_start3A_245 : memref<1024x1024xf32, #tpu.memory_space<any>>) target(%dma_start3A_242 : memref<1024x1024xf32, #tpu.memory_space<vmem>>) target_semaphore(%dma_start3A_238 : memref<!tpu.dma_semaphore, #tpu.memory_space<semaphore_mem>>)
    %dma_start3A_246 = arith.constant 1 : i32
    %dma_start3A_247 = arith.constant 1 : i32
    %dma_start3A_248 = tpu.memref_slice %arg12[%dma_start3A_247] : memref<2x!tpu.dma_semaphore, #tpu.memory_space<semaphore_mem>> -> memref<1x!tpu.dma_semaphore, #tpu.memory_space<semaphore_mem>>
    %dma_start3A_249 = tpu.memref_squeeze %dma_start3A_248 : memref<1x!tpu.dma_semaphore, #tpu.memory_space<semaphore_mem>> -> memref<!tpu.dma_semaphore, #tpu.memory_space<semaphore_mem>>
    %dma_start3A_250 = arith.constant 0 : i32
    %dma_start3A_251 = arith.constant 0 : i32
    %dma_start3A_252 = tpu.memref_slice %arg10[%dma_start3A_246, %dma_start3A_250, %dma_start3A_251] : memref<2x1024x1024xf32, #tpu.memory_space<vmem>> -> memref<1x1024x1024xf32, #tpu.memory_space<vmem>>
    %dma_start3A_253 = tpu.memref_squeeze %dma_start3A_252 : memref<1x1024x1024xf32, #tpu.memory_space<vmem>> -> memref<1024x1024xf32, #tpu.memory_space<vmem>>
    %dma_start3A_254 = arith.constant 3072 : i32
    %dma_start3A_255 = arith.constant 0 : i32
    %dma_start3A_256 = tpu.memref_slice %arg6[%dma_start3A_254, %dma_start3A_255] : memref<4096x1024xf32, #tpu.memory_space<any>> -> memref<1024x1024xf32, #tpu.memory_space<any>>
    tpu.enqueue_dma source(%dma_start3A_256 : memref<1024x1024xf32, #tpu.memory_space<any>>) target(%dma_start3A_253 : memref<1024x1024xf32, #tpu.memory_space<vmem>>) target_semaphore(%dma_start3A_249 : memref<!tpu.dma_semaphore, #tpu.memory_space<semaphore_mem>>)
    %dma_wait3A_257 = arith.constant 0 : i32
    %dma_wait3A_258 = arith.constant 0 : i32
    %dma_wait3A_259 = tpu.memref_slice %arg11[%dma_wait3A_258] : memref<2x!tpu.dma_semaphore, #tpu.memory_space<semaphore_mem>> -> memref<1x!tpu.dma_semaphore, #tpu.memory_space<semaphore_mem>>
    %dma_wait3A_260 = tpu.memref_squeeze %dma_wait3A_259 : memref<1x!tpu.dma_semaphore, #tpu.memory_space<semaphore_mem>> -> memref<!tpu.dma_semaphore, #tpu.memory_space<semaphore_mem>>
    %dma_wait3A_261 = arith.constant 0 : i32
    %dma_wait3A_262 = arith.constant 0 : i32
    %dma_wait3A_263 = tpu.memref_slice %arg9[%dma_wait3A_257, %dma_wait3A_261, %dma_wait3A_262] : memref<2x1024x1024xf32, #tpu.memory_space<vmem>> -> memref<1x1024x1024xf32, #tpu.memory_space<vmem>>
    %dma_wait3A_264 = tpu.memref_squeeze %dma_wait3A_263 : memref<1x1024x1024xf32, #tpu.memory_space<vmem>> -> memref<1024x1024xf32, #tpu.memory_space<vmem>>
    %dma_wait3A_265 = arith.constant 0 : i32
    %dma_wait3A_266 = arith.constant 2048 : i32
    %dma_wait3A_267 = tpu.memref_slice %arg5[%dma_wait3A_265, %dma_wait3A_266] : memref<1024x4096xf32, #tpu.memory_space<any>> -> memref<1024x1024xf32, #tpu.memory_space<any>>
    tpu.wait_dma2 semaphore(%dma_wait3A_260 : memref<!tpu.dma_semaphore, #tpu.memory_space<semaphore_mem>>) src(%dma_wait3A_267 : memref<1024x1024xf32, #tpu.memory_space<any>>) dst(%dma_wait3A_264 : memref<1024x1024xf32, #tpu.memory_space<vmem>>)
    %dma_wait3A_268 = arith.constant 0 : i32
    %dma_wait3A_269 = arith.constant 0 : i32
    %dma_wait3A_270 = tpu.memref_slice %arg12[%dma_wait3A_269] : memref<2x!tpu.dma_semaphore, #tpu.memory_space<semaphore_mem>> -> memref<1x!tpu.dma_semaphore, #tpu.memory_space<semaphore_mem>>
    %dma_wait3A_271 = tpu.memref_squeeze %dma_wait3A_270 : memref<1x!tpu.dma_semaphore, #tpu.memory_space<semaphore_mem>> -> memref<!tpu.dma_semaphore, #tpu.memory_space<semaphore_mem>>
    %dma_wait3A_272 = arith.constant 0 : i32
    %dma_wait3A_273 = arith.constant 0 : i32
    %dma_wait3A_274 = tpu.memref_slice %arg10[%dma_wait3A_268, %dma_wait3A_272, %dma_wait3A_273] : memref<2x1024x1024xf32, #tpu.memory_space<vmem>> -> memref<1x1024x1024xf32, #tpu.memory_space<vmem>>
    %dma_wait3A_275 = tpu.memref_squeeze %dma_wait3A_274 : memref<1x1024x1024xf32, #tpu.memory_space<vmem>> -> memref<1024x1024xf32, #tpu.memory_space<vmem>>
    %dma_wait3A_276 = arith.constant 2048 : i32
    %dma_wait3A_277 = arith.constant 0 : i32
    %dma_wait3A_278 = tpu.memref_slice %arg6[%dma_wait3A_276, %dma_wait3A_277] : memref<4096x1024xf32, #tpu.memory_space<any>> -> memref<1024x1024xf32, #tpu.memory_space<any>>
    tpu.wait_dma2 semaphore(%dma_wait3A_271 : memref<!tpu.dma_semaphore, #tpu.memory_space<semaphore_mem>>) src(%dma_wait3A_278 : memref<1024x1024xf32, #tpu.memory_space<any>>) dst(%dma_wait3A_275 : memref<1024x1024xf32, #tpu.memory_space<vmem>>)
    %get3A_279 = arith.constant 0 : index
    %get3A_280 = arith.constant 0 : index
    %get3A_281 = vector.load %arg8[%get3A_279, %get3A_280] : memref<1024x1024xf32, #tpu.memory_space<vmem>>, vector<1024x1024xf32>
    %get3A_282 = arith.constant 0 : index
    %get3A_283 = arith.constant 0 : index
    %get3A_284 = arith.constant 0 : index
    %get3A_285 = vector.load %arg9[%get3A_282, %get3A_283, %get3A_284] : memref<2x1024x1024xf32, #tpu.memory_space<vmem>>, vector<1x1024x1024xf32>
    %get3A_286 = vector.shape_cast %get3A_285 : vector<1x1024x1024xf32> to vector<1024x1024xf32>
    %dot_general3A_287 = arith.constant dense<0.000000e+00> : vector<1024x1024xf32>
    %dot_general3A_288 = tpu.matmul %get3A_281, %get3A_286, %dot_general3A_287 {dimension_numbers = #tpu.dot_dimension_numbers<[1], [0], [0], [1], [0, 0, 1, 1], [], []>, transpose_lhs_hint = false} : vector<1024x1024xf32>, vector<1024x1024xf32>, vector<1024x1024xf32> -> vector<1024x1024xf32>
    %get3A_289 = arith.constant 0 : index
    %get3A_290 = arith.constant 2048 : index
    %get3A_291 = vector.load %arg3[%get3A_289, %get3A_290] : memref<1x4096xf32, #tpu.memory_space<vmem>>, vector<1x1024xf32>
    %add3A_292 = vector.broadcast %get3A_291 : vector<1x1024xf32> to vector<1024x1024xf32>
    %add3A_293 = arith.addf %dot_general3A_288, %add3A_292 : vector<1024x1024xf32>
    %integer_pow3A_294 = arith.mulf %add3A_293, %add3A_293 : vector<1024x1024xf32>
    %integer_pow3A_295 = arith.mulf %add3A_293, %integer_pow3A_294 : vector<1024x1024xf32>
    %mul3A_296 = arith.constant 4.471500e-02 : f32
    %mul3A_297 = vector.broadcast %mul3A_296 : f32 to vector<1024x1024xf32>
    %mul3A_298 = arith.mulf %mul3A_297, %integer_pow3A_295 : vector<1024x1024xf32>
    %add3A_299 = arith.addf %add3A_293, %mul3A_298 : vector<1024x1024xf32>
    %mul3A_300 = arith.constant 0.797884583 : f32
    %mul3A_301 = vector.broadcast %mul3A_300 : f32 to vector<1024x1024xf32>
    %mul3A_302 = arith.mulf %mul3A_301, %add3A_299 : vector<1024x1024xf32>
    %tanh3A_303 = math.tanh %mul3A_302 : vector<1024x1024xf32>
    %add3A_304 = arith.constant 1.000000e+00 : f32
    %add3A_305 = vector.broadcast %add3A_304 : f32 to vector<1024x1024xf32>
    %add3A_306 = arith.addf %add3A_305, %tanh3A_303 : vector<1024x1024xf32>
    %mul3A_307 = arith.constant 5.000000e-01 : f32
    %mul3A_308 = vector.broadcast %mul3A_307 : f32 to vector<1024x1024xf32>
    %mul3A_309 = arith.mulf %mul3A_308, %add3A_306 : vector<1024x1024xf32>
    %mul3A_310 = arith.mulf %add3A_293, %mul3A_309 : vector<1024x1024xf32>
    %get3A_311 = arith.constant 0 : index
    %get3A_312 = arith.constant 0 : index
    %get3A_313 = vector.load %arg7[%get3A_311, %get3A_312] : memref<1024x1024xf32, #tpu.memory_space<vmem>>, vector<1024x1024xf32>
    %get3A_314 = arith.constant 0 : index
    %get3A_315 = arith.constant 0 : index
    %get3A_316 = arith.constant 0 : index
    %get3A_317 = vector.load %arg10[%get3A_314, %get3A_315, %get3A_316] : memref<2x1024x1024xf32, #tpu.memory_space<vmem>>, vector<1x1024x1024xf32>
    %get3A_318 = vector.shape_cast %get3A_317 : vector<1x1024x1024xf32> to vector<1024x1024xf32>
    %dot_general3A_319 = arith.constant dense<0.000000e+00> : vector<1024x1024xf32>
    %dot_general3A_320 = tpu.matmul %mul3A_310, %get3A_318, %dot_general3A_319 {dimension_numbers = #tpu.dot_dimension_numbers<[1], [0], [0], [1], [0, 0, 1, 1], [], []>, transpose_lhs_hint = false} : vector<1024x1024xf32>, vector<1024x1024xf32>, vector<1024x1024xf32> -> vector<1024x1024xf32>
    %add3A_321 = arith.addf %get3A_313, %dot_general3A_320 : vector<1024x1024xf32>
    %swap3A_322 = arith.constant 0 : index
    %swap3A_323 = arith.constant 0 : index
    %swap3A_324 = vector.load %arg7[%swap3A_322, %swap3A_323] : memref<1024x1024xf32, #tpu.memory_space<vmem>>, vector<1024x1024xf32>
    tpu.vector_store %arg7[%swap3A_322, %swap3A_323], %add3A_321 {strides = array<i32>} : memref<1024x1024xf32, #tpu.memory_space<vmem>>, vector<1024x1024xf32>,
    %dma_wait3A_325 = arith.constant 1 : i32
    %dma_wait3A_326 = arith.constant 1 : i32
    %dma_wait3A_327 = tpu.memref_slice %arg11[%dma_wait3A_326] : memref<2x!tpu.dma_semaphore, #tpu.memory_space<semaphore_mem>> -> memref<1x!tpu.dma_semaphore, #tpu.memory_space<semaphore_mem>>
    %dma_wait3A_328 = tpu.memref_squeeze %dma_wait3A_327 : memref<1x!tpu.dma_semaphore, #tpu.memory_space<semaphore_mem>> -> memref<!tpu.dma_semaphore, #tpu.memory_space<semaphore_mem>>
    %dma_wait3A_329 = arith.constant 0 : i32
    %dma_wait3A_330 = arith.constant 0 : i32
    %dma_wait3A_331 = tpu.memref_slice %arg9[%dma_wait3A_325, %dma_wait3A_329, %dma_wait3A_330] : memref<2x1024x1024xf32, #tpu.memory_space<vmem>> -> memref<1x1024x1024xf32, #tpu.memory_space<vmem>>
    %dma_wait3A_332 = tpu.memref_squeeze %dma_wait3A_331 : memref<1x1024x1024xf32, #tpu.memory_space<vmem>> -> memref<1024x1024xf32, #tpu.memory_space<vmem>>
    %dma_wait3A_333 = arith.constant 0 : i32
    %dma_wait3A_334 = arith.constant 3072 : i32
    %dma_wait3A_335 = tpu.memref_slice %arg5[%dma_wait3A_333, %dma_wait3A_334] : memref<1024x4096xf32, #tpu.memory_space<any>> -> memref<1024x1024xf32, #tpu.memory_space<any>>
    tpu.wait_dma2 semaphore(%dma_wait3A_328 : memref<!tpu.dma_semaphore, #tpu.memory_space<semaphore_mem>>) src(%dma_wait3A_335 : memref<1024x1024xf32, #tpu.memory_space<any>>) dst(%dma_wait3A_332 : memref<1024x1024xf32, #tpu.memory_space<vmem>>)
    %dma_wait3A_336 = arith.constant 1 : i32
    %dma_wait3A_337 = arith.constant 1 : i32
    %dma_wait3A_338 = tpu.memref_slice %arg12[%dma_wait3A_337] : memref<2x!tpu.dma_semaphore, #tpu.memory_space<semaphore_mem>> -> memref<1x!tpu.dma_semaphore, #tpu.memory_space<semaphore_mem>>
    %dma_wait3A_339 = tpu.memref_squeeze %dma_wait3A_338 : memref<1x!tpu.dma_semaphore, #tpu.memory_space<semaphore_mem>> -> memref<!tpu.dma_semaphore, #tpu.memory_space<semaphore_mem>>
    %dma_wait3A_340 = arith.constant 0 : i32
    %dma_wait3A_341 = arith.constant 0 : i32
    %dma_wait3A_342 = tpu.memref_slice %arg10[%dma_wait3A_336, %dma_wait3A_340, %dma_wait3A_341] : memref<2x1024x1024xf32, #tpu.memory_space<vmem>> -> memref<1x1024x1024xf32, #tpu.memory_space<vmem>>
    %dma_wait3A_343 = tpu.memref_squeeze %dma_wait3A_342 : memref<1x1024x1024xf32, #tpu.memory_space<vmem>> -> memref<1024x1024xf32, #tpu.memory_space<vmem>>
    %dma_wait3A_344 = arith.constant 3072 : i32
    %dma_wait3A_345 = arith.constant 0 : i32
    %dma_wait3A_346 = tpu.memref_slice %arg6[%dma_wait3A_344, %dma_wait3A_345] : memref<4096x1024xf32, #tpu.memory_space<any>> -> memref<1024x1024xf32, #tpu.memory_space<any>>
    tpu.wait_dma2 semaphore(%dma_wait3A_339 : memref<!tpu.dma_semaphore, #tpu.memory_space<semaphore_mem>>) src(%dma_wait3A_346 : memref<1024x1024xf32, #tpu.memory_space<any>>) dst(%dma_wait3A_343 : memref<1024x1024xf32, #tpu.memory_space<vmem>>)
    %get3A_347 = arith.constant 0 : index
    %get3A_348 = arith.constant 0 : index
    %get3A_349 = vector.load %arg8[%get3A_347, %get3A_348] : memref<1024x1024xf32, #tpu.memory_space<vmem>>, vector<1024x1024xf32>
    %get3A_350 = arith.constant 1 : index
    %get3A_351 = arith.constant 0 : index
    %get3A_352 = arith.constant 0 : index
    %get3A_353 = vector.load %arg9[%get3A_350, %get3A_351, %get3A_352] : memref<2x1024x1024xf32, #tpu.memory_space<vmem>>, vector<1x1024x1024xf32>
    %get3A_354 = vector.shape_cast %get3A_353 : vector<1x1024x1024xf32> to vector<1024x1024xf32>
    %dot_general3A_355 = arith.constant dense<0.000000e+00> : vector<1024x1024xf32>
    %dot_general3A_356 = tpu.matmul %get3A_349, %get3A_354, %dot_general3A_355 {dimension_numbers = #tpu.dot_dimension_numbers<[1], [0], [0], [1], [0, 0, 1, 1], [], []>, transpose_lhs_hint = false} : vector<1024x1024xf32>, vector<1024x1024xf32>, vector<1024x1024xf32> -> vector<1024x1024xf32>
    %get3A_357 = arith.constant 0 : index
    %get3A_358 = arith.constant 3072 : index
    %get3A_359 = vector.load %arg3[%get3A_357, %get3A_358] : memref<1x4096xf32, #tpu.memory_space<vmem>>, vector<1x1024xf32>
    %add3A_360 = vector.broadcast %get3A_359 : vector<1x1024xf32> to vector<1024x1024xf32>
    %add3A_361 = arith.addf %dot_general3A_356, %add3A_360 : vector<1024x1024xf32>
    %integer_pow3A_362 = arith.mulf %add3A_361, %add3A_361 : vector<1024x1024xf32>
    %integer_pow3A_363 = arith.mulf %add3A_361, %integer_pow3A_362 : vector<1024x1024xf32>
    %mul3A_364 = arith.constant 4.471500e-02 : f32
    %mul3A_365 = vector.broadcast %mul3A_364 : f32 to vector<1024x1024xf32>
    %mul3A_366 = arith.mulf %mul3A_365, %integer_pow3A_363 : vector<1024x1024xf32>
    %add3A_367 = arith.addf %add3A_361, %mul3A_366 : vector<1024x1024xf32>
    %mul3A_368 = arith.constant 0.797884583 : f32
    %mul3A_369 = vector.broadcast %mul3A_368 : f32 to vector<1024x1024xf32>
    %mul3A_370 = arith.mulf %mul3A_369, %add3A_367 : vector<1024x1024xf32>
    %tanh3A_371 = math.tanh %mul3A_370 : vector<1024x1024xf32>
    %add3A_372 = arith.constant 1.000000e+00 : f32
    %add3A_373 = vector.broadcast %add3A_372 : f32 to vector<1024x1024xf32>
    %add3A_374 = arith.addf %add3A_373, %tanh3A_371 : vector<1024x1024xf32>
    %mul3A_375 = arith.constant 5.000000e-01 : f32
    %mul3A_376 = vector.broadcast %mul3A_375 : f32 to vector<1024x1024xf32>
    %mul3A_377 = arith.mulf %mul3A_376, %add3A_374 : vector<1024x1024xf32>
    %mul3A_378 = arith.mulf %add3A_361, %mul3A_377 : vector<1024x1024xf32>
    %get3A_379 = arith.constant 0 : index
    %get3A_380 = arith.constant 0 : index
    %get3A_381 = vector.load %arg7[%get3A_379, %get3A_380] : memref<1024x1024xf32, #tpu.memory_space<vmem>>, vector<1024x1024xf32>
    %get3A_382 = arith.constant 1 : index
    %get3A_383 = arith.constant 0 : index
    %get3A_384 = arith.constant 0 : index
    %get3A_385 = vector.load %arg10[%get3A_382, %get3A_383, %get3A_384] : memref<2x1024x1024xf32, #tpu.memory_space<vmem>>, vector<1x1024x1024xf32>
    %get3A_386 = vector.shape_cast %get3A_385 : vector<1x1024x1024xf32> to vector<1024x1024xf32>
    %dot_general3A_387 = arith.constant dense<0.000000e+00> : vector<1024x1024xf32>
    %dot_general3A_388 = tpu.matmul %mul3A_378, %get3A_386, %dot_general3A_387 {dimension_numbers = #tpu.dot_dimension_numbers<[1], [0], [0], [1], [0, 0, 1, 1], [], []>, transpose_lhs_hint = false} : vector<1024x1024xf32>, vector<1024x1024xf32>, vector<1024x1024xf32> -> vector<1024x1024xf32>
    %add3A_389 = arith.addf %get3A_381, %dot_general3A_388 : vector<1024x1024xf32>
    %swap3A_390 = arith.constant 0 : index
    %swap3A_391 = arith.constant 0 : index
    %swap3A_392 = vector.load %arg7[%swap3A_390, %swap3A_391] : memref<1024x1024xf32, #tpu.memory_space<vmem>>, vector<1024x1024xf32>
    tpu.vector_store %arg7[%swap3A_390, %swap3A_391], %add3A_389 {strides = array<i32>} : memref<1024x1024xf32, #tpu.memory_space<vmem>>, vector<1024x1024xf32>,
    return
  }
}

</mosaic_0001>

<sc_bundles>
// kernel: kernel.4.cloned.1.call-start
scs
__scs_entry_jumppad:
0x0: {  	(pc) =	sbr.rel $0x88, $3  }
0x1: {  	(tag) =	ssettag $0x0;
	lr =	simm.s32 $0x1  }
0x2: {  	[smem:$0x3F99] =	sst lr;
	_ =	strace $0xD0000000  }
0x3: {  	_ = 	snop  }
0x4: {  	_ = 	snop  }
0x5: {  	_ = 	snop  }
0x6: {  	_ = 	snop  }
0x7: {  	_ = 	snop  }
__scs_overlays_trampoline_lowered:
0x8: {  	[smem:$0x3FA8] =	sst s0  }
0x9: {  	[smem:$0x3FA9] =	sst s1  }
0xa: {  	[smem:$0x3FAA] =	sst s2  }
0xb: {  	[smem:$0x3FAB] =	sst s3  }
0xc: {  	[smem:$0x3FAC] =	sst s4  }
0xd: {  	[smem:$0x3FAD] =	sst s5  }
0xe: {  	[smem:$0x3FAE] =	sst s6  }
0xf: {  	[smem:$0x3FAF] =	sst s7  }
0x10: {  	[smem:$0x3FB0] =	sst s8  }
0x11: {  	[smem:$0x3FB1] =	sst s9;
	s0 =	simm.s32 @!p0 $0x0  }
0x12: {  	s1 =	sld [smem:$0x3F97];
	s0 =	simm.s32 @p0 $0x1  }
0x13: {  	[smem:$0x3FB2] =	sst s0;
	s0 =	simm.s32 @!p1 $0x0  }
0x14: {  	s2 =	sld [smem:$0x3F96];
	s0 =	simm.s32 @p1 $0x1  }
0x15: {  	[smem:$0x3FB3] =	sst s0;
	s0 =	simm.s32 @!p2 $0x0  }
0x16: {  	s3 =	sld [smem:$0x3FDB];
	s0 =	simm.s32 @p2 $0x1  }
0x17: {  	s4 =	simm.s32 $0x1BF5;
	[smem:$0x3FB5] =	sst s0  }
0x18: {  	s0 =	sld [smem:$0x3F98];
	_ =	swait.ge [sflag:s4], $0x0  }
0x19: {  	s7 =	sld [smem:$0x3F99]  }
0x1a: {  	s8 =	sadd.s32 $0xFFFFE003, lr  }
0x1b: {  	s9 =	sadd.s32 $0xFFFFFEF7, lr;
	s5 =	simm.s32 $0xFFFFFFFF;
	p2 =	slt.u32 s8, $0xFFFFF086  }
0x1c: {  	p1 =	slt.u32 s9, $0xF7A;
	s5 =	simm.s32 @!p2 $0x0  }
0x1d: {  	s5 =	simm.s32 @p1 $0x1;
	p0 =	seq.s32 s7, s2  }
0x1e: {  	s7 =	smul.u32 @!p0 $0xF7A, s2;
	p2 =	seq.s32 @!p0 s5, $0x0  }
0x1f: {  	s9 =	smul.u32 $0xF7A, s1;
	s8 =	simm.s32 @!p0 $0x1BF5;
	p2 =	por !p2, p0  }
0x20: {  	[sflag:s8] =	ssyncset.s32 @!p0 $0xFFFFF086;
	s6 =	sadd.s32 @!p0 s3, s7;
	s7 =	simm.s32 @!p0 $0x108  }
0x21: {  	s3 =	sadd.s32 s3, s9;
	s6 =	sadd.s32 @!p0 $0x88, s6;
	s7 =	simm.s32 @p2 $0x1082  }
0x22: {  	[simem:s7], [sflag:s8] =	dma.local @!p0 [hbm:s6], $0xF7A  }
0x23: {  	s9 =	sor.u32 $0xD0000000, s2;
	s6 =	simm.s32 $0x108;
	_ =	swait.ge @!p0 [sflag:s8], $0x0  }
0x24: {  	s3 =	sadd.s32 $0x88, s3;
	s6 =	simm.s32 @!p1 $0x1082;
	[sflag:s4] =	ssyncset.s32 $0xFFFFF086  }
0x25: {  	[simem:s6], [sflag:s4] =	dma.local [hbm:s3], $0xF7A  }
0x26: {  	[smem:$0x3F99] =	sst s1;
	(tag) =	ssettag s2;
	_ =	strace s9  }
0x27: {  	s1 =	sld [smem:$0x3FA9]  }
0x28: {  	s2 =	sld [smem:$0x3FAA]  }
0x29: {  	s4 =	sld [smem:$0x3FAC]  }
0x2a: {  	p0 =	seq.s32 s5, $0x0;
	s5 =	sld [smem:$0x3FAD]  }
0x2b: {  	s6 =	sld [smem:$0x3FAE]  }
0x2c: {  	s7 =	sld [smem:$0x3FAF]  }
0x2d: {  	s3 =	simm.s32 $0x108;
	s8 =	sld [smem:$0x3FB0]  }
0x2e: {  	s3 =	simm.s32 @!p0 $0x1082;
	s9 =	sld [smem:$0x3FB1]  }
0x2f: {  	lr =	sadd.s32 s0, s3;
	s0 =	sld [smem:$0x3FA8]  }
0x30: {  	s3 =	sld [smem:$0x3FAB]  }
0x31: {  	[smem:$0x3FB4] =	sst s10  }
0x32: {  	s10 =	sld [smem:$0x3FB2];
	_ =	sdelay $0x3  }
0x33: {  	p0 =	seq.s32 s10, $0x1;
	s10 =	sld [smem:$0x3FB4];
	_ =	sdelay $0x3  }
0x34: {  	[smem:$0x3FB4] =	sst s10  }
0x35: {  	s10 =	sld [smem:$0x3FB3];
	_ =	sdelay $0x3  }
0x36: {  	p1 =	seq.s32 s10, $0x1;
	s10 =	sld [smem:$0x3FB4];
	_ =	sdelay $0x3  }
0x37: {  	[smem:$0x3FB4] =	sst s10  }
0x38: {  	s10 =	sld [smem:$0x3FB5]  }
0x39: {  	_ = 	snop;
	(pc) =	sbr.ind lr, $3  }
0x3a: {  	_ = 	snop  }
0x3b: {  	_ = 	snop  }
0x3c: {  	p2 =	seq.s32 s10, $0x1;
	s10 =	sld [smem:$0x3FB4]  }
0x3d: {  	_ =	shalt  }
0x3e: {  	_ =	shalt  }
0x3f: {  	_ =	shalt  }
0x40: {  	_ =	shalt  }
0x41: {  	_ =	shalt  }
0x42: {  	_ =	shalt  }
0x43: {  	_ =	shalt  }
0x44: {  	_ =	shalt  }
0x45: {  	_ =	shalt  }
0x46: {  	_ =	shalt  }
0x47: {  	_ =	shalt  }
0x48: {  	_ =	shalt  }
0x49: {  	_ =	shalt  }
0x4a: {  	_ =	shalt  }
0x4b: {  	_ =	shalt  }
0x4c: {  	_ =	shalt  }
0x4d: {  	_ =	shalt  }
0x4e: {  	_ =	shalt  }
0x4f: {  	_ =	shalt  }
0x50: {  	_ =	shalt  }
0x51: {  	_ =	shalt  }
0x52: {  	_ =	shalt  }
0x53: {  	_ =	shalt  }
0x54: {  	_ =	shalt  }
0x55: {  	_ =	shalt  }
0x56: {  	_ =	shalt  }
0x57: {  	_ =	shalt  }
0x58: {  	_ =	shalt  }
0x59: {  	_ =	shalt  }
0x5a: {  	_ =	shalt  }
0x5b: {  	_ =	shalt  }
0x5c: {  	_ =	shalt  }
0x5d: {  	_ =	shalt  }
0x5e: {  	_ =	shalt  }
0x5f: {  	_ =	shalt  }
0x60: {  	_ =	shalt  }
0x61: {  	_ =	shalt  }
0x62: {  	_ =	shalt  }
0x63: {  	_ =	shalt  }
0x64: {  	_ =	shalt  }
0x65: {  	_ =	shalt  }
0x66: {  	_ =	shalt  }
0x67: {  	_ =	shalt  }
0x68: {  	_ =	shalt  }
0x69: {  	_ =	shalt  }
0x6a: {  	_ =	shalt  }
0x6b: {  	_ =	shalt  }
0x6c: {  	_ =	shalt  }
0x6d: {  	_ =	shalt  }
0x6e: {  	_ =	shalt  }
0x6f: {  	_ =	shalt  }
0x70: {  	_ =	shalt  }
0x71: {  	_ =	shalt  }
0x72: {  	_ =	shalt  }
0x73: {  	_ =	shalt  }
0x74: {  	_ =	shalt  }
0x75: {  	_ =	shalt  }
0x76: {  	_ =	shalt  }
0x77: {  	_ =	shalt  }
0x78: {  	_ =	shalt  }
0x79: {  	_ =	shalt  }
0x7a: {  	_ =	shalt  }
0x7b: {  	_ =	shalt  }
0x7c: {  	_ =	shalt  }
0x7d: {  	_ =	shalt  }
0x7e: {  	_ =	shalt  }
0x7f: {  	_ =	shalt  }
0x80: {  	_ =	shalt  }
0x81: {  	_ =	shalt  }
0x82: {  	_ =	shalt  }
0x83: {  	_ =	shalt  }
0x84: {  	_ =	shalt  }
0x85: {  	_ =	shalt  }
0x86: {  	_ =	shalt  }
0x87: {  	_ =	shalt  }
.Lfunc_end0:
.L_simem_size_0:
called_computation_lowered:
.L_overlay_start_0:
0x88: {  	s2 =	sld [smem:$0x3FD9]  }
0x89: {  	s3 =	sld [smem:$0x3FFE];
	_ =	sdelay $0x1  }
0x8a: {  	s1 =	srdreg.scid  }
0x8b: {  	s0 =	sand.u32 $0x1, s1  }
0x8c: {  	s17 =	sshll.u32 s0, $0xA;
	s2 =	sadd.s32 s3, s2  }
0x8d: {  	s2 =	sadd.s32 s2, s17  }
0x8e: {  	[smem:$0x3FC0] =	sst s2  }
0x8f: {  	_ = 	snop  }
0x90: {  	s2 =	sld [smem:$0x3FC8]  }
0x91: {  	s18 =	sld [smem:$0x3FD0];
	(tm) =	ssettm $0x1  }
0x92: {  	s4 =	sld [smem:$0x3FFB];
	_ =	sdelay $0x3  }
0x93: {  	_ =	strace s4  }
0x94: {  	s4 =	sld [smem:$0x3FFC];
	_ =	sdelay $0x3  }
0x95: {  	_ =	strace s4  }
0x96: {  	s4 =	sld [smem:$0x3FFD];
	_ =	sdelay $0x3  }
0x97: {  	_ =	strace s4  }
0x98: {  	_ =	strace $0x8FFFFFFF  }
0x99: {  	s19 =	sld [smem:$0x3FDB];
	_ =	sdelay $0x1  }
0x9a: {  	s5 =	simm.s32 $_scs_section_size  }
0x9b: {  	s6 =	simm.s32 $_size__tile_overlayer_lowered;
	s7 =	simm.s32 $_tile_overlayer_lowered  }
0x9c: {  	s22 =	simm.s32 $0x1BFF;
	s21 =	sshll.u32 s7, $0x1;
	s4 =	sadd.s32 s5, s19  }
0x9d: {  	s8 =	simm.s32 $0x0;
	s20 =	sshll.u32 s6, $0x1;
	s6 =	sadd.s32 s21, s4  }
0x9e: {  	[timem:s8], [sflag:s22] =	dma.local [hbm:s6], s20  }
0x9f: {  	_ =	swait.ge [sflag:s22], s20  }
0xa0: {  	s5 =	ssub.s32 $0x0, s20;
	[sflag:s22] =	ssyncset.done $0x0  }
0xa1: {  	[sflag:s22] =	ssyncadd.s32 s5;
	_ =	sdelay $0x1  }
0xa2: {  	s23 =	simm.s32 $0x1B8B  }
0xa3: {  	_ =	swait.ge [sflag:s23], $0x1  }
0xa4: {  	[sflag:s23] =	ssyncset.done $0x0  }
0xa5: {  	s25 =	simm.s32 $0x1B8E;
	s24 =	sld [smem:$0x3FFE];
	[sflag:s23] =	ssyncadd.s32 $0xFFFFFFFF  }
0xa6: {  	s26 =	simm.s32 $execute0_lowered;
	[smem:$0x3FD2] =	sst s25  }
0xa7: {  	s6 =	sshll.u32 s26, $0x1;
	_ =	strace $0x80000046;
	[dreg:$0x1] =	wrdreg $0xFFFFFFFF  }
0xa8: {  	s28 =	simm.s32 $_size_execute0_lowered;
	s4 =	sadd.s32 s4, s6;
	[dreg:$0x0] =	wrdreg $0x0  }
0xa9: {  	s6 =	sshll.u32 s28, $0x1;
	[dreg:$0x2] =	wrdreg s4  }
0xaa: {  	[dreg:$0x3] =	wrdreg s6  }
0xab: {  	[dreg:$0x4] =	wrdreg $0xC0  }
0xac: {  	_ =	task [dreg:s8], $0x5FFFF  }
0xad: {  	[dreg:$0x1] =	wrdreg $0xFFFFFFFF  }
0xae: {  	[dreg:$0x0] =	wrdreg $0x60  }
0xaf: {  	[dreg:$0x2] =	wrdreg s2  }
0xb0: {  	[dreg:$0x3] =	wrdreg s24  }
0xb1: {  	[dreg:$0x4] =	wrdreg s18  }
0xb2: {  	[dreg:$0x5] =	wrdreg $0x9  }
0xb3: {  	_ =	task.clear_ibuf [dreg:s8], $0x6FFFF;
	_ =	strace $0x90000046  }
0xb4: {  	s29 =	simm.s32 $0x9;
	_ =	strace $0x80000048  }
0xb5: {  	_ =	swait.ge [sflag:s29], $0x1  }
0xb6: {  	[sflag:s29] =	ssyncadd.s32 $0xFFFFFFFF  }
0xb7: {  	_ =	strace $0x90000048  }
0xb8: {  	_ =	sfence  }
0xb9: {  	s30 =	sld [smem:$0x0];
	_ =	sdelay $0x2  }
0xba: {  	s31 =	sshll.u32 s1, $0xD;
	s1 =	sshrl.u32 s1, $0x2  }
0xbb: {  	s3 =	sand.u32 $0x4000, s31;
	s1 =	sadd.s32 s1, s30  }
0xbc: {  	s0 =	sor.u32 s3, s0;
	s1 =	sshll.u32 s1, $0x11  }
0xbd: {  	s0 =	sor.u32 s1, s0  }
0xbe: {  	s0 =	sadd.s32 $0x8F2B, s0  }
0xbf: {  	[sflag:s0] =	ssyncadd.remote.s32 $0x1  }
0xc0: {  	_ =	sfence.sel $0xFFFF  }
0xc1: {  	[dreg:$0x0] =	wrdreg $0xFFFFFFFF;
	(pc) =	sbr.abs _section_cstart, $3  }
0xc2: {  	[dreg:$0x1] =	wrdreg $0xFFFFFFFF  }
0xc3: {  	_ =	task.clear_ibuf [dreg:s8], $0x2FFFF;
	_ =	strace $0x9FFFFFFF  }
0xc4: {  	(tm) =	ssettm $0x7FFFFFFF  }
0xc5: {  	_ =	shalt  }
tec
execute0_lowered:
.L_overlay_start_1:
0x0: {  	(tag) =	ssettag $0x1  }
0x1: {  	s1 =	rddreg [dreg:$0x0];
	s2 =	srdreg.scid  }
0x2: {  	s4 =	rddreg [dreg:$0x1];
	s0 =	stileid.u32  }
0x3: {  	s8 =	rddreg [dreg:$0x2];
	s11 =	simm.s32 $0x80;
	s12 =	simm.s32 $0x880  }
0x4: {  	s13 =	simm.s32 $0x1080;
	s14 =	simm.s32 $0x1880;
	s15 =	simm.s32 $0x2080  }
0x5: {  	s16 =	simm.s32 $0x2880;
	s17 =	simm.s32 $0x3080;
	s18 =	simm.s32 $0x3880  }
0x6: {  	s19 =	simm.s32 $0x4080;
	s20 =	simm.s32 $0x4880;
	s21 =	simm.s32 $0x5080  }
0x7: {  	s22 =	simm.s32 $0x5880;
	s23 =	simm.s32 $0x6080;
	s24 =	simm.s32 $0x6880  }
0x8: {  	s25 =	simm.s32 $0x7080;
	s26 =	simm.s32 $0x7880;
	s5 =	sand.u32 $0x1, s2  }
0x9: {  	s28 =	simm.s32 $0x1;
	s3 =	sshll.u32 s0, $0x6;
	s6 =	sshll.u32 s5, $0x5  }
0xa: {  	s2 =	rddreg [dreg:$0x3];
	s5 =	ssub.s32 $0x2, s5;
	s7 =	sor.u32 s6, s3  }
0xb: {  	s3 =	simm.s32 $0x0;
	s31 =	sshrl.u32 s5, $0x1;
	s6 =	sshrl.u32 s7, $0x3  }
0xc: {  	[smem:$0x7FF] =	sst s3;
	s9 =	ssub.s32 s5, s31;
	s5 =	sadd.s32 $0x100, s1  }
0xd: {  	v2 =	vlaneseq.u32;
	s10 =	sshll.u32 s7, $0x7;
	s7 =	sadd.s32 $0x300, s1;
	s4 =	sadd.s32 s6, s4  }
0xe: {  	vm0 =	vmmov $0xffff;
	v1 =	vshrl.u32 v2, $0x3;
	_ =	strace $0x80000047;
	s6 =	sadd.s32 $0x200, s1;
	s8 =	sadd.s32 s8, s10  }
0xf: {  	v0 =	vand.u32 $0x7, v2;
	v2 =	vor.u32 $0x8, v2;
	v1 =	vmul.u32 $0x8, v1;
	s9 =	smax.u32 s9, $0x1;
	s10 =	simm.s32 $0x2;
	s4 =	sadd.s32 $0x1000, s4  }
.LBB2_1:
0x10: {  	[tilespmem:s3], [sflag:$0x2] =	stream.linear.gather [hbm4b:s4+s3], $0x20, $0x38;
	[tilespmem:$0x8080] =	vst v63  }
0x11: {  	_ =	swait.ge [sflag:s10], $0x20  }
0x12: {  	[sflag:s10] =	ssyncset.done $0x0  }
0x13: {  	[sflag:s10] =	ssyncadd.s32 $0xFFFFFFE0  }
0x14: {  	v3 =	vld [tilespmem:$0x0];
	_ =	sdelay $0x4  }
0x15: {  	v4 =	vshll.u32 v3, $0x3  }
0x16: {  	v3 =	vand.u32 $0x7, v3;
	v4 =	vand.u32 $0xFFFFFFC0, v4  }
0x17: {  	v3 =	vor.u32 v3, v4  }
0x18: {  	v4 =	vperm.xlane v3, v0;
	_ =	sdelay $0x1  }
0x19: {  	v4 =	vadd.s32 v1, v4;
	_ =	sdelay $0x4  }
0x1a: {  	[tilespmem:s11], [sflag:$0x1] =	stream.indirect_vreg.gather [hbm4b:s1+s3], $0x80, v4, vm0, $0xb8;
	[tilespmem:$0x8080] =	vst v63  }
0x1b: {  	v3 =	vperm.xlane v3, v2  }
0x1c: {  	[tilespmem:s12], [sflag:$0x1] =	stream.indirect_vreg.gather [hbm4b:s5+s3], $0x80, v4, vm0, $0xb8;
	[tilespmem:$0x8080] =	vst v63  }
0x1d: {  	v3 =	vadd.s32 v1, v3  }
0x1e: {  	[tilespmem:s13], [sflag:$0x1] =	stream.indirect_vreg.gather [hbm4b:s6+s3], $0x80, v4, vm0, $0xb8;
	[tilespmem:$0x8080] =	vst v63  }
0x1f: {  	_ = 	snop  }
0x20: {  	[tilespmem:s14], [sflag:$0x1] =	stream.indirect_vreg.gather [hbm4b:s7+s3], $0x80, v4, vm0, $0xb8;
	[tilespmem:$0x8080] =	vst v63  }
0x21: {  	_ = 	snop  }
0x22: {  	[tilespmem:s15], [sflag:$0x1] =	stream.indirect_vreg.gather [hbm4b:s1+s3], $0x80, v3, vm0, $0xb8;
	[tilespmem:$0x8080] =	vst v63  }
0x23: {  	_ = 	snop  }
0x24: {  	[tilespmem:s16], [sflag:$0x1] =	stream.indirect_vreg.gather [hbm4b:s5+s3], $0x80, v3, vm0, $0xb8;
	[tilespmem:$0x8080] =	vst v63  }
0x25: {  	_ = 	snop  }
0x26: {  	[tilespmem:s17], [sflag:$0x1] =	stream.indirect_vreg.gather [hbm4b:s6+s3], $0x80, v3, vm0, $0xb8;
	[tilespmem:$0x8080] =	vst v63  }
0x27: {  	_ = 	snop  }
0x28: {  	[tilespmem:s18], [sflag:$0x1] =	stream.indirect_vreg.gather [hbm4b:s7+s3], $0x80, v3, vm0, $0xb8;
	[tilespmem:$0x8080] =	vst v63  }
0x29: {  	v3 =	vld [tilespmem:$0x10];
	_ =	sdelay $0x4  }
0x2a: {  	v63 =	vshll.u32 v3, $0x3  }
0x2b: {  	v3 =	vand.u32 $0x7, v3;
	v4 =	vand.u32 $0xFFFFFFC0, v63  }
0x2c: {  	v3 =	vor.u32 v3, v4  }
0x2d: {  	v4 =	vperm.xlane v3, v0;
	_ =	sdelay $0x1  }
0x2e: {  	v4 =	vadd.s32 v1, v4;
	_ =	sdelay $0x4  }
0x2f: {  	[tilespmem:s19], [sflag:$0x1] =	stream.indirect_vreg.gather [hbm4b:s1+s3], $0x80, v4, vm0, $0xb8;
	[tilespmem:$0x8080] =	vst v63  }
0x30: {  	v3 =	vperm.xlane v3, v2  }
0x31: {  	[tilespmem:s20], [sflag:$0x1] =	stream.indirect_vreg.gather [hbm4b:s5+s3], $0x80, v4, vm0, $0xb8;
	[tilespmem:$0x8080] =	vst v63  }
0x32: {  	v3 =	vadd.s32 v1, v3  }
0x33: {  	[tilespmem:s21], [sflag:$0x1] =	stream.indirect_vreg.gather [hbm4b:s6+s3], $0x80, v4, vm0, $0xb8;
	[tilespmem:$0x8080] =	vst v63  }
0x34: {  	_ = 	snop  }
0x35: {  	[tilespmem:s22], [sflag:$0x1] =	stream.indirect_vreg.gather [hbm4b:s7+s3], $0x80, v4, vm0, $0xb8;
	[tilespmem:$0x8080] =	vst v63  }
0x36: {  	_ = 	snop  }
0x37: {  	[tilespmem:s23], [sflag:$0x1] =	stream.indirect_vreg.gather [hbm4b:s1+s3], $0x80, v3, vm0, $0xb8;
	[tilespmem:$0x8080] =	vst v63  }
0x38: {  	_ = 	snop  }
0x39: {  	[tilespmem:s24], [sflag:$0x1] =	stream.indirect_vreg.gather [hbm4b:s5+s3], $0x80, v3, vm0, $0xb8;
	[tilespmem:$0x8080] =	vst v63  }
0x3a: {  	_ = 	snop  }
0x3b: {  	[tilespmem:s25], [sflag:$0x1] =	stream.indirect_vreg.gather [hbm4b:s6+s3], $0x80, v3, vm0, $0xb8;
	[tilespmem:$0x8080] =	vst v63  }
0x3c: {  	_ = 	snop  }
0x3d: {  	[tilespmem:s26], [sflag:$0x1] =	stream.indirect_vreg.gather [hbm4b:s7+s3], $0x80, v3, vm0, $0xb8;
	[tilespmem:$0x8080] =	vst v63  }
0x3e: {  	_ =	swait.ge [sflag:s28], $0x8000  }
0x3f: {  	p0 =	sne.s32 s9, $0x1;
	[sflag:s28] =	ssyncset.done $0x0  }
.Ltmp0:
0x40: {  	[sflag:s28] =	ssyncadd.s32 $0xFFFF8000;
	(pc) =	sbr.rel @p0 .LBB2_1-.Ltmp0, $4  }
0x41: {  	[hbm4b:s8+s3] =	stream.linear.scatter [tilespmem:s11], [sflag:$0x2], $0x8000, $0x38;
	[tilespmem:$0x8080] =	vst v63  }
0x42: {  	_ =	swait.ge [sflag:s10], $0x8000  }
0x43: {  	[sflag:s10] =	ssyncset.done $0x0  }
0x44: {  	s9 =	sadd.s32 $0xFFFFFFFF, s9;
	[sflag:s10] =	ssyncadd.s32 $0xFFFF8000  }
0x45: {  	_ =	sfence.sel $0x180000  }
0x46: {  	[bflag:$0x0] =	sbarrier.arrive $0xFFFF  }
0x47: {  	p0 =	sne.s32 s0, $0x0;
	_ =	strace $0x90000047  }
0x48: {  	s0 =	sadd.s32 @!p0 $0x100000, s2;
	[bflag:$0x2] =	sbarrier.arrive $0xFFFF  }
0x49: {  	[sflag:s0] =	ssyncadd.tile.s32 @!p0 $0x1;
	_ =	shalt  }
.Lfunc_end2:
_tile_overlayer_lowered:
.L_overlay_start_2:
0x4a: {  	(tag) =	ssettag $0x2  }
0x4b: {  	s0 =	rddreg [dreg:$0x0];
	s2 =	stileid.u32  }
0x4c: {  	s1 =	rddreg [dreg:$0x1];
	p0 =	sne.s32 s2, $0x0  }
0x4d: {  	s3 =	rddreg [dreg:$0x2];
	[bflag:$0x3] =	sbarrier.arrive $0xFFFF;
	s2 =	simm.s32 @!p0 $0x1C02  }
0x4e: {  	[timem:s3], [sflag:s2] =	dma.local @!p0 [hbm:s0], s1  }
0x4f: {  	s0 =	simm.s32 @!p0 $0x2  }
0x50: {  	_ =	swait.ge @!p0 [sflag:s0], s1  }
0x51: {  	s1 =	ssub.s32 @!p0 $0x0, s1;
	[sflag:s0] =	ssyncset.done @!p0 $0x0  }
0x52: {  	[sflag:s0] =	ssyncadd.s32 @!p0 s1  }
0x53: {  	[bflag:$0x3] =	sbarrier.arrive $0xFFFF  }
0x54: {  	_ =	shalt  }

</sc_bundles>
